<compile_context>
chip_gen: v7x
topology: tpu7x:2x2x1
jax: 0.10.2.dev20260603
libtpu: 0.0.44.dev20260713+nightly
codegen_flags: <defaults>
</compile_context>

<pallas_src>
import jax
import jax.numpy as jnp
from jax import lax
from jax.experimental import pallas as pl
from jax.experimental.pallas import tpu as pltpu
from jax.experimental.pallas import tpu_sc as plsc

N = 10000
E = 320000
D = 128
L = 16
NC = 2
NS = 16
NW = NC * NS
EB = 128
NBATCH = 80
ET = EB * NBATCH
E_PAD = ET * NW
N_PAD = 10240
ROWS_PER_TILE = N_PAD // NS

_MESH = plsc.VectorSubcoreMesh(core_axis_name="c", subcore_axis_name="s")


def _wid():
    return lax.axis_index("c") * NS + lax.axis_index("s")


def _deg_body(col_hbm, ew_hbm, out_hbm, colv, ewv, acc):
    wid = _wid()

    def zero(i, _):
        acc[pl.ds(i * L, L)] = jnp.zeros((L,), jnp.float32)
        return _

    lax.fori_loop(0, N_PAD // L, zero, None)
    base = wid * ET
    pltpu.sync_copy(col_hbm.at[pl.ds(base, ET)], colv)
    pltpu.sync_copy(ew_hbm.at[pl.ds(base, ET)], ewv)

    def body(i, _):
        idx = colv[pl.ds(i * L, L)]
        w = ewv[pl.ds(i * L, L)]
        plsc.addupdate_scatter(acc, [idx], w)
        return _

    lax.fori_loop(0, ET // L, body, None)
    pltpu.sync_copy(acc, out_hbm.at[wid])


@jax.jit
def _deg(col, ew):
    return pl.kernel(
        _deg_body,
        out_type=jax.ShapeDtypeStruct((NW, N_PAD), jnp.float32),
        mesh=_MESH,
        scratch_types=[
            pltpu.VMEM((ET,), jnp.int32),
            pltpu.VMEM((ET,), jnp.float32),
            pltpu.VMEM((N_PAD,), jnp.float32),
        ],
        compiler_params=pltpu.CompilerParams(needs_layout_passes=False),
    )(col, ew)


def _scale_rows(rowsbuf, ebuf):

    def scale(j, _s):
        ew16 = plsc.bitcast(ebuf[2, pl.ds(j * L, L)], jnp.float32)
        for k in range(L):
            sv = jnp.full((L,), ew16[k], jnp.float32)
            i = j * L + k
            for g in range(D // L):
                rowsbuf[i, pl.ds(g * L, L)] = rowsbuf[i, pl.ds(g * L, L)] * sv
        return _s

    lax.fori_loop(0, EB // L, scale, None)


def _spmm_body(h3_hbm, pk_hbm, out_hbm,
               ebuf0, ebuf1, ebuf2, ebuf3, rows0, rows1, acc,
               ge0, ge1, se0, se1, ee0, ee1, ee2, ee3):
    cid = lax.axis_index("c")
    sid = lax.axis_index("s")
    nb = NBATCH
    wb = (cid * NS + sid) * NBATCH
    ebufs = (ebuf0, ebuf1, ebuf2, ebuf3)
    ees = (ee0, ee1, ee2, ee3)

    def zfill(i, _):
        for g in range(D // L):
            rows0[i, pl.ds(g * L, L)] = jnp.zeros((L,), jnp.float32)
        return _

    lax.fori_loop(0, EB, zfill, None)
    for j in range(ROWS_PER_TILE // EB):
        pltpu.sync_copy(rows0, acc.at[pl.ds(sid * ROWS_PER_TILE + j * EB, EB)])

    plsc.subcore_barrier()

    pltpu.async_copy(pk_hbm.at[wb + 0], ebuf0, ee0)
    pltpu.async_copy(pk_hbm.at[wb + 1], ebuf1, ee1)
    pltpu.async_copy(pk_hbm.at[wb + 2], ebuf2, ee2)
    pltpu.make_async_copy(pk_hbm.at[wb + 0], ebuf0, ee0).wait()
    pltpu.async_copy(h3_hbm.at[ebuf0.at[0]], rows0, ge0)

    def half(b, e, rows_a, rows_b, ge_a, ge_b, se_a, se_b):
        ep = (e + 3) % 4
        en = (e + 1) % 4
        pltpu.make_async_copy(h3_hbm.at[ebufs[e].at[0]], rows_a, ge_a).wait()

        @pl.when(b >= 1)
        def _():
            pltpu.make_async_copy(rows_b, acc.at[ebufs[ep].at[1]], se_b).wait()

        @pl.when(b + 3 < nb)
        def _():
            pltpu.async_copy(pk_hbm.at[wb + b + 3], ebufs[ep], ees[ep])

        @pl.when(b + 1 < nb)
        def _():
            pltpu.make_async_copy(pk_hbm.at[wb + b + 1], ebufs[en], ees[en]).wait()
            pltpu.async_copy(h3_hbm.at[ebufs[en].at[0]], rows_b, ge_b)

        _scale_rows(rows_a, ebufs[e])
        pltpu.async_copy(rows_a, acc.at[ebufs[e].at[1]], se_a, add=True)

    def quad(i, _):
        b = 4 * i
        half(b + 0, 0, rows0, rows1, ge0, ge1, se0, se1)
        half(b + 1, 1, rows1, rows0, ge1, ge0, se1, se0)
        half(b + 2, 2, rows0, rows1, ge0, ge1, se0, se1)
        half(b + 3, 3, rows1, rows0, ge1, ge0, se1, se0)
        return _

    lax.fori_loop(0, nb // 4, quad, None)
    pltpu.make_async_copy(rows1, acc.at[ebuf3.at[1]], se1).wait()

    plsc.subcore_barrier()
    pltpu.sync_copy(acc.at[pl.ds(sid * ROWS_PER_TILE, ROWS_PER_TILE)],
                    out_hbm.at[cid, pl.ds(sid * ROWS_PER_TILE, ROWS_PER_TILE)])


@jax.jit
def _spmm(h3, pk):
    return pl.kernel(
        _spmm_body,
        out_type=jax.ShapeDtypeStruct((NC, N_PAD, D), jnp.float32),
        mesh=_MESH,
        scratch_types=(
            [pltpu.VMEM((8, EB), jnp.int32)] * 4
            + [pltpu.VMEM((EB, D), jnp.float32)] * 2
            + [pltpu.VMEM_SHARED((N_PAD, D), jnp.float32)]
            + [pltpu.SemaphoreType.DMA] * 8
        ),
        compiler_params=pltpu.CompilerParams(needs_layout_passes=False),
    )(h3, pk)


def _bn_relu(h, g, b):
    m = jnp.mean(h, axis=0, keepdims=True)
    v = jnp.mean(h * h, axis=0, keepdims=True) - m * m
    return jax.nn.relu((h - m) * lax.rsqrt(v + 1e-5) * g + b)


def _dinv_col(dp_ref):
    deg = jnp.sum(dp_ref[...], axis=0)[:N] + 1.0
    return lax.rsqrt(deg)[:, None]


def _tc_a_body(x_ref, dp_ref, wi1, bi1, gi1, bti1, wi2, bi2, gi2, bti2, wg1,
               h3a_ref):
    h = jnp.dot(x_ref[...], wi1[...], preferred_element_type=jnp.float32) + bi1[...]
    h = _bn_relu(h, gi1[...], bti1[...])
    h = jnp.dot(h, wi2[...], preferred_element_type=jnp.float32) + bi2[...]
    h = _bn_relu(h, gi2[...], bti2[...])
    t = jnp.dot(h, wg1[...], preferred_element_type=jnp.float32)
    h3a_ref[...] = _dinv_col(dp_ref) * t


def _tc_b_body(h3_ref, p_ref, dp_ref, gg, btg, bg, wnext, h3b_ref):
    dinv = _dinv_col(dp_ref)
    s = dinv * (h3_ref[...] + p_ref[0, :N] + p_ref[1, :N]) + bg[...]
    g = _bn_relu(s, gg[...], btg[...])
    t = jnp.dot(g, wnext[...], preferred_element_type=jnp.float32)
    h3b_ref[...] = dinv * t


def _tc_c_body(h3_ref, p_ref, dp_ref, gg, btg, bg,
               wo1, bo1, go1, bto1, wo2, bo2, go2, bto2, wo3, bo3, out_ref):
    dinv = _dinv_col(dp_ref)
    s = dinv * (h3_ref[...] + p_ref[0, :N] + p_ref[1, :N]) + bg[...]
    g = _bn_relu(s, gg[...], btg[...])
    o = _bn_relu(jnp.dot(g, wo1[...], preferred_element_type=jnp.float32) + bo1[...],
                 go1[...], bto1[...])
    o = _bn_relu(jnp.dot(o, wo2[...], preferred_element_type=jnp.float32) + bo2[...],
                 go2[...], bto2[...])
    out_ref[...] = jnp.dot(o, wo3[...], preferred_element_type=jnp.float32) + bo3[...]


def _tc_call(body, out_shape, *args):
    return pl.pallas_call(
        body,
        out_shape=jax.ShapeDtypeStruct(out_shape, jnp.float32),
    )(*args)


def kernel(x, edge_index, edge_weight,
           Wi1, bi1, gi1, bti1, Wi2, bi2, gi2, bti2,
           Wg1, bg1, gg1, btg1, Wg2, bg2, gg2, btg2,
           Wo1, bo1, go1, bto1, Wo2, bo2, go2, bto2, Wo3, bo3):
    pad = E_PAD - E
    pad_idx = jnp.arange(pad, dtype=jnp.int32) % N
    rowp = jnp.concatenate([edge_index[0], pad_idx])
    colp = jnp.concatenate([edge_index[1], pad_idx])
    ewp = jnp.concatenate([edge_weight, jnp.zeros((pad,), jnp.float32)])

    nblk = E_PAD // EB
    pk = jnp.concatenate([
        rowp.reshape(nblk, 1, EB),
        colp.reshape(nblk, 1, EB),
        lax.bitcast_convert_type(ewp, jnp.int32).reshape(nblk, 1, EB),
        jnp.zeros((nblk, 5, EB), jnp.int32),
    ], axis=1)

    dp = _deg(colp, ewp)

    h3a = _tc_call(_tc_a_body, (N, D),
                   x, dp, Wi1, bi1, gi1, bti1, Wi2, bi2, gi2, bti2, Wg1)
    p1 = _spmm(h3a, pk)
    h3b = _tc_call(_tc_b_body, (N, D), h3a, p1, dp, gg1, btg1, bg1, Wg2)
    p2 = _spmm(h3b, pk)
    out = _tc_call(_tc_c_body, (N, 4), h3b, p2, dp, gg2, btg2, bg2,
                   Wo1, bo1, go1, bto1, Wo2, bo2, go2, bto2, Wo3, bo3)
    return out

# --- scband reference (transcript-rebuilt; emitter-appended) ---
"""Pipeline reference for scband-interbank-net-gcn-53085795778685 (READ-ONLY COPY).

The authoritative reference and input builder live on the scoring server;
editing this copy changes nothing except your own understanding.
"""

import jax, jax.numpy as jnp
import numpy as np

N = 10000
E = 320000
D_IN = 128
GCN_H = 128
MLP_H1 = 128
MLP_H2 = 64
N_CLASSES = 4
EPS = 1e-5


def _bn(x, gamma, beta):
    mean = jnp.mean(x, axis=0, keepdims=True)
    var = jnp.var(x, axis=0, keepdims=True)
    return (x - mean) / jnp.sqrt(var + EPS) * gamma + beta


def _gcn_norm(edge_index, edge_weight, num_nodes):
    # PyG gcn_norm with add_self_loops=True, improved=False (fill_value=1)
    loop = jnp.arange(num_nodes, dtype=edge_index.dtype)
    row = jnp.concatenate([edge_index[0], loop])
    col = jnp.concatenate([edge_index[1], loop])
    ew = jnp.concatenate([edge_weight, jnp.ones((num_nodes,), edge_weight.dtype)])
    deg = jnp.zeros((num_nodes,), ew.dtype).at[col].add(ew)
    dinv = jnp.where(deg > 0, jax.lax.rsqrt(jnp.maximum(deg, 1e-30)), 0.0)
    norm = dinv[row] * ew * dinv[col]
    return row, col, norm


def _gcn_conv(x, row, col, norm, W, b):
    h = x @ W
    msg = norm[:, None] * jnp.take(h, row, axis=0)
    out = jnp.zeros((x.shape[0], W.shape[1]), x.dtype).at[col].add(msg)
    return out + b


def setup_inputs(seed: int = 0) -> dict:
    key = jax.random.key(seed)
    ks = jax.random.split(key, 16)

    def w(k, shape, fan):
        return (jax.random.normal(k, shape, jnp.float32) / np.sqrt(fan)).astype(jnp.float32)

    inp = {}
    inp['x'] = jax.random.normal(ks[0], (N, D_IN), jnp.float32)
    inp['edge_index'] = jax.random.randint(ks[1], (2, E), 0, N, dtype=jnp.int32)
    inp['edge_weight'] = jax.random.uniform(ks[2], (E,), jnp.float32)
    # InputMLP params
    inp['Wi1'] = w(ks[3], (D_IN, MLP_H1), D_IN); inp['bi1'] = jnp.zeros((MLP_H1,), jnp.float32)
    inp['gi1'] = jnp.ones((MLP_H1,), jnp.float32); inp['bti1'] = jnp.zeros((MLP_H1,), jnp.float32)
    inp['Wi2'] = w(ks[4], (MLP_H1, MLP_H2), MLP_H1); inp['bi2'] = jnp.zeros((MLP_H2,), jnp.float32)
    inp['gi2'] = jnp.ones((MLP_H2,), jnp.float32); inp['bti2'] = jnp.zeros((MLP_H2,), jnp.float32)
    # CoreGCN params
    inp['Wg1'] = w(ks[5], (MLP_H2, GCN_H), MLP_H2); inp['bg1'] = jnp.zeros((GCN_H,), jnp.float32)
    inp['gg1'] = jnp.ones((GCN_H,), jnp.float32); inp['btg1'] = jnp.zeros((GCN_H,), jnp.float32)
    inp['Wg2'] = w(ks[6], (GCN_H, GCN_H), GCN_H); inp['bg2'] = jnp.zeros((GCN_H,), jnp.float32)
    inp['gg2'] = jnp.ones((GCN_H,), jnp.float32); inp['btg2'] = jnp.zeros((GCN_H,), jnp.float32)
    # OutputMLP params
    inp['Wo1'] = w(ks[7], (GCN_H, MLP_H1), GCN_H); inp['bo1'] = jnp.zeros((MLP_H1,), jnp.float32)
    inp['go1'] = jnp.ones((MLP_H1,), jnp.float32); inp['bto1'] = jnp.zeros((MLP_H1,), jnp.float32)
    inp['Wo2'] = w(ks[8], (MLP_H1, MLP_H2), MLP_H1); inp['bo2'] = jnp.zeros((MLP_H2,), jnp.float32)
    inp['go2'] = jnp.ones((MLP_H2,), jnp.float32); inp['bto2'] = jnp.zeros((MLP_H2,), jnp.float32)
    inp['Wo3'] = w(ks[9], (MLP_H2, N_CLASSES), MLP_H2); inp['bo3'] = jnp.zeros((N_CLASSES,), jnp.float32)
    return inp


def reference(x, edge_index, edge_weight,
              Wi1, bi1, gi1, bti1, Wi2, bi2, gi2, bti2,
              Wg1, bg1, gg1, btg1, Wg2, bg2, gg2, btg2,
              Wo1, bo1, go1, bto1, Wo2, bo2, go2, bto2, Wo3, bo3):
    # InputMLP (dropout is identity in eval)
    h = jax.nn.relu(_bn(x @ Wi1 + bi1, gi1, bti1))
    h = jax.nn.relu(_bn(h @ Wi2 + bi2, gi2, bti2))
    # CoreGCN
    row, col, norm = _gcn_norm(edge_index, edge_weight, x.shape[0])
    h = _gcn_conv(h, row, col, norm, Wg1, bg1)
    h = jax.nn.relu(_bn(h, gg1, btg1))
    h = _gcn_conv(h, row, col, norm, Wg2, bg2)
    h = jax.nn.relu(_bn(h, gg2, btg2))
    # OutputMLP
    h = jax.nn.relu(_bn(h @ Wo1 + bo1, go1, bto1))
    h = jax.nn.relu(_bn(h @ Wo2 + bo2, go2, bto2))
    return h @ Wo3 + bo3

if __name__ == "__main__":
    import jax
    _d = setup_inputs()
    print(jax.jit(kernel)(*tuple(_d.values())))

</pallas_src>

<mosaic_0001>
#map = affine_map<(d0, d1) -> (0)>
#map1 = affine_map<(d0, d1) -> (0, 0)>
module attributes {stable_mosaic.version = 14 : i64} {
  func.func @_deg_body(%arg0: i32, %arg1: i32, %arg2: memref<327680xi32, #tpu.memory_space<hbm>>, %arg3: memref<327680xf32, #tpu.memory_space<hbm>>, %arg4: memref<32x10240xf32, #tpu.memory_space<hbm>>, %arg5: memref<10240xi32, #tpu.memory_space<vmem>>, %arg6: memref<10240xf32, #tpu.memory_space<vmem>>, %arg7: memref<10240xf32, #tpu.memory_space<vmem>>) attributes {dimension_semantics = [#tpu.dimension_semantics<core_parallel>, #tpu.dimension_semantics<subcore_parallel>], iteration_bounds = array<i64: 2, 16>, scalar_prefetch = 0 : i64, scratch_operands = 3 : i64, tpu.core_type = #tpu.core_type<sc_vector_subcore>, window_params = [{transform_indices = #map}, {transform_indices = #map}, {transform_indices = #map1}]} {
    %mul3A = arith.constant 16 : i32
    %mul3A_0 = arith.muli %arg0, %mul3A : i32
    %add3A = arith.addi %mul3A_0, %arg1 : i32
    %scan3A = arith.constant 0 : i32
    %scan3A_1 = arith.constant 640 : i32
    %scan3A_2 = arith.addi %scan3A, %scan3A_1 : i32
    %scan3A_3 = arith.constant 1 : i32
    scf.for %scan3A_12 = %scan3A to %scan3A_2 step %scan3A_3  : i32 {
      %broadcast_in_dim3A = arith.constant 0.000000e+00 : f32
      %broadcast_in_dim3A_13 = vector.broadcast %broadcast_in_dim3A : f32 to vector<16xf32>
      %mul3A_14 = arith.constant 16 : i32
      %mul3A_15 = arith.muli %scan3A_12, %mul3A_14 : i32
      %swap3A = arith.index_cast %mul3A_15 : i32 to index
      %swap3A_16 = tpu.vector_load %arg7[%swap3A] {strides = array<i32>} : memref<10240xf32, #tpu.memory_space<vmem>>, vector<16xf32>,
      tpu.vector_store %arg7[%swap3A], %broadcast_in_dim3A_13 {strides = array<i32>} : memref<10240xf32, #tpu.memory_space<vmem>>, vector<16xf32>,
    }
    %scan3A_4 = arith.constant 640 : i32
    %mul3A_5 = arith.constant 10240 : i32
    %mul3A_6 = arith.muli %add3A, %mul3A_5 : i32
    "tpu.region"() ({
      %run_scoped3A = tpu.sem_alloc : memref<!tpu.dma_semaphore, #tpu.memory_space<semaphore_mem>>
      %dma_start3A = tpu.memref_slice %arg2[%mul3A_6] : memref<327680xi32, #tpu.memory_space<hbm>> -> memref<10240xi32, #tpu.memory_space<hbm>>
      %dma_start3A_12 = tpu.memref_slice %arg2[%mul3A_6] : memref<327680xi32, #tpu.memory_space<hbm>> -> memref<10240xi32, #tpu.memory_space<hbm>>
      tpu.enqueue_dma source(%dma_start3A_12 : memref<10240xi32, #tpu.memory_space<hbm>>) target(%arg5 : memref<10240xi32, #tpu.memory_space<vmem>>) target_semaphore(%run_scoped3A : memref<!tpu.dma_semaphore, #tpu.memory_space<semaphore_mem>>)
      %dma_wait3A = tpu.memref_slice %arg2[%mul3A_6] : memref<327680xi32, #tpu.memory_space<hbm>> -> memref<10240xi32, #tpu.memory_space<hbm>>
      %dma_wait3A_13 = tpu.memref_slice %arg2[%mul3A_6] : memref<327680xi32, #tpu.memory_space<hbm>> -> memref<10240xi32, #tpu.memory_space<hbm>>
      tpu.wait_dma2 semaphore(%run_scoped3A : memref<!tpu.dma_semaphore, #tpu.memory_space<semaphore_mem>>) src(%dma_wait3A_13 : memref<10240xi32, #tpu.memory_space<hbm>>) dst(%arg5 : memref<10240xi32, #tpu.memory_space<vmem>>)
      tpu.yield
    }) : () -> ()
    "tpu.region"() ({
      %run_scoped3A = tpu.sem_alloc : memref<!tpu.dma_semaphore, #tpu.memory_space<semaphore_mem>>
      %dma_start3A = tpu.memref_slice %arg3[%mul3A_6] : memref<327680xf32, #tpu.memory_space<hbm>> -> memref<10240xf32, #tpu.memory_space<hbm>>
      %dma_start3A_12 = tpu.memref_slice %arg3[%mul3A_6] : memref<327680xf32, #tpu.memory_space<hbm>> -> memref<10240xf32, #tpu.memory_space<hbm>>
      tpu.enqueue_dma source(%dma_start3A_12 : memref<10240xf32, #tpu.memory_space<hbm>>) target(%arg6 : memref<10240xf32, #tpu.memory_space<vmem>>) target_semaphore(%run_scoped3A : memref<!tpu.dma_semaphore, #tpu.memory_space<semaphore_mem>>)
      %dma_wait3A = tpu.memref_slice %arg3[%mul3A_6] : memref<327680xf32, #tpu.memory_space<hbm>> -> memref<10240xf32, #tpu.memory_space<hbm>>
      %dma_wait3A_13 = tpu.memref_slice %arg3[%mul3A_6] : memref<327680xf32, #tpu.memory_space<hbm>> -> memref<10240xf32, #tpu.memory_space<hbm>>
      tpu.wait_dma2 semaphore(%run_scoped3A : memref<!tpu.dma_semaphore, #tpu.memory_space<semaphore_mem>>) src(%dma_wait3A_13 : memref<10240xf32, #tpu.memory_space<hbm>>) dst(%arg6 : memref<10240xf32, #tpu.memory_space<vmem>>)
      tpu.yield
    }) : () -> ()
    %scan3A_7 = arith.constant 0 : i32
    %scan3A_8 = arith.constant 640 : i32
    %scan3A_9 = arith.addi %scan3A_7, %scan3A_8 : i32
    %scan3A_10 = arith.constant 1 : i32
    scf.for %scan3A_12 = %scan3A_7 to %scan3A_9 step %scan3A_10  : i32 {
      %mul3A_13 = arith.constant 16 : i32
      %mul3A_14 = arith.muli %scan3A_12, %mul3A_13 : i32
      %get3A = arith.index_cast %mul3A_14 : i32 to index
      %get3A_15 = tpu.vector_load %arg5[%get3A] {strides = array<i32>} : memref<10240xi32, #tpu.memory_space<vmem>>, vector<16xi32>,
      %mul3A_16 = arith.constant 16 : i32
      %mul3A_17 = arith.muli %scan3A_12, %mul3A_16 : i32
      %get3A_18 = arith.index_cast %mul3A_17 : i32 to index
      %get3A_19 = tpu.vector_load %arg6[%get3A_18] {strides = array<i32>} : memref<10240xf32, #tpu.memory_space<vmem>>, vector<16xf32>,
      tpu.vector_store_idx %arg7[%get3A_15], %get3A_19 {add = true} : memref<10240xf32, #tpu.memory_space<vmem>>[vector<16xi32>], vector<16xf32>,
    }
    %scan3A_11 = arith.constant 640 : i32
    "tpu.region"() ({
      %run_scoped3A = tpu.sem_alloc : memref<!tpu.dma_semaphore, #tpu.memory_space<semaphore_mem>>
      %dma_start3A = arith.constant 0 : i32
      %dma_start3A_12 = tpu.memref_slice %arg4[%add3A, %dma_start3A] : memref<32x10240xf32, #tpu.memory_space<hbm>> -> memref<1x10240xf32, #tpu.memory_space<hbm>>
      %dma_start3A_13 = tpu.memref_squeeze %dma_start3A_12 : memref<1x10240xf32, #tpu.memory_space<hbm>> -> memref<10240xf32, #tpu.memory_space<hbm>>
      %dma_start3A_14 = arith.constant 0 : i32
      %dma_start3A_15 = tpu.memref_slice %arg4[%add3A, %dma_start3A_14] : memref<32x10240xf32, #tpu.memory_space<hbm>> -> memref<1x10240xf32, #tpu.memory_space<hbm>>
      %dma_start3A_16 = tpu.memref_squeeze %dma_start3A_15 : memref<1x10240xf32, #tpu.memory_space<hbm>> -> memref<10240xf32, #tpu.memory_space<hbm>>
      tpu.enqueue_dma source(%arg7 : memref<10240xf32, #tpu.memory_space<vmem>>) target(%dma_start3A_16 : memref<10240xf32, #tpu.memory_space<hbm>>) target_semaphore(%run_scoped3A : memref<!tpu.dma_semaphore, #tpu.memory_space<semaphore_mem>>)
      %dma_wait3A = arith.constant 0 : i32
      %dma_wait3A_17 = tpu.memref_slice %arg4[%add3A, %dma_wait3A] : memref<32x10240xf32, #tpu.memory_space<hbm>> -> memref<1x10240xf32, #tpu.memory_space<hbm>>
      %dma_wait3A_18 = tpu.memref_squeeze %dma_wait3A_17 : memref<1x10240xf32, #tpu.memory_space<hbm>> -> memref<10240xf32, #tpu.memory_space<hbm>>
      %dma_wait3A_19 = arith.constant 0 : i32
      %dma_wait3A_20 = tpu.memref_slice %arg4[%add3A, %dma_wait3A_19] : memref<32x10240xf32, #tpu.memory_space<hbm>> -> memref<1x10240xf32, #tpu.memory_space<hbm>>
      %dma_wait3A_21 = tpu.memref_squeeze %dma_wait3A_20 : memref<1x10240xf32, #tpu.memory_space<hbm>> -> memref<10240xf32, #tpu.memory_space<hbm>>
      tpu.wait_dma2 semaphore(%run_scoped3A : memref<!tpu.dma_semaphore, #tpu.memory_space<semaphore_mem>>) src(%arg7 : memref<10240xf32, #tpu.memory_space<vmem>>) dst(%dma_wait3A_21 : memref<10240xf32, #tpu.memory_space<hbm>>)
      tpu.yield
    }) : () -> ()
    return
  }
}

</mosaic_0001>

<sc_bundles>
// kernel: _deg.3.cloned.1.call-start
scs
__scs_entry_jumppad:
0x0: {  	(pc) =	sbr.rel $0x88, $3  }
0x1: {  	(tag) =	ssettag $0x0;
	lr =	simm.s32 $0x1  }
0x2: {  	[smem:$0x3F9F] =	sst lr;
	_ =	strace $0xD0000000  }
0x3: {  	_ = 	snop  }
0x4: {  	_ = 	snop  }
0x5: {  	_ = 	snop  }
0x6: {  	_ = 	snop  }
0x7: {  	_ = 	snop  }
__scs_overlays_trampoline_lowered:
0x8: {  	[smem:$0x3FAE] =	sst s0  }
0x9: {  	[smem:$0x3FAF] =	sst s1  }
0xa: {  	[smem:$0x3FB0] =	sst s2  }
0xb: {  	[smem:$0x3FB1] =	sst s3  }
0xc: {  	[smem:$0x3FB2] =	sst s4  }
0xd: {  	[smem:$0x3FB3] =	sst s5  }
0xe: {  	[smem:$0x3FB4] =	sst s6  }
0xf: {  	[smem:$0x3FB5] =	sst s7  }
0x10: {  	[smem:$0x3FB6] =	sst s8  }
0x11: {  	[smem:$0x3FB7] =	sst s9;
	s0 =	simm.s32 @!p0 $0x0  }
0x12: {  	s1 =	sld [smem:$0x3F9D];
	s0 =	simm.s32 @p0 $0x1  }
0x13: {  	[smem:$0x3FB8] =	sst s0;
	s0 =	simm.s32 @!p1 $0x0  }
0x14: {  	s2 =	sld [smem:$0x3F9C];
	s0 =	simm.s32 @p1 $0x1  }
0x15: {  	[smem:$0x3FB9] =	sst s0;
	s0 =	simm.s32 @!p2 $0x0  }
0x16: {  	s3 =	sld [smem:$0x3FDB];
	s0 =	simm.s32 @p2 $0x1  }
0x17: {  	s4 =	simm.s32 $0x1BF5;
	[smem:$0x3FBB] =	sst s0  }
0x18: {  	s0 =	sld [smem:$0x3F9E];
	_ =	swait.ge [sflag:s4], $0x0  }
0x19: {  	s7 =	sld [smem:$0x3F9F]  }
0x1a: {  	s8 =	sadd.s32 $0xFFFFE003, lr  }
0x1b: {  	s9 =	sadd.s32 $0xFFFFFEF7, lr;
	s5 =	simm.s32 $0xFFFFFFFF;
	p2 =	slt.u32 s8, $0xFFFFF086  }
0x1c: {  	p1 =	slt.u32 s9, $0xF7A;
	s5 =	simm.s32 @!p2 $0x0  }
0x1d: {  	s5 =	simm.s32 @p1 $0x1;
	p0 =	seq.s32 s7, s2  }
0x1e: {  	s7 =	smul.u32 @!p0 $0xF7A, s2;
	p2 =	seq.s32 @!p0 s5, $0x0  }
0x1f: {  	s9 =	smul.u32 $0xF7A, s1;
	s8 =	simm.s32 @!p0 $0x1BF5;
	p2 =	por !p2, p0  }
0x20: {  	[sflag:s8] =	ssyncset.s32 @!p0 $0xFFFFF086;
	s6 =	sadd.s32 @!p0 s3, s7;
	s7 =	simm.s32 @!p0 $0x108  }
0x21: {  	s3 =	sadd.s32 s3, s9;
	s6 =	sadd.s32 @!p0 $0x88, s6;
	s7 =	simm.s32 @p2 $0x1082  }
0x22: {  	[simem:s7], [sflag:s8] =	dma.local @!p0 [hbm:s6], $0xF7A  }
0x23: {  	s9 =	sor.u32 $0xD0000000, s2;
	s6 =	simm.s32 $0x108;
	_ =	swait.ge @!p0 [sflag:s8], $0x0  }
0x24: {  	s3 =	sadd.s32 $0x88, s3;
	s6 =	simm.s32 @!p1 $0x1082;
	[sflag:s4] =	ssyncset.s32 $0xFFFFF086  }
0x25: {  	[simem:s6], [sflag:s4] =	dma.local [hbm:s3], $0xF7A  }
0x26: {  	[smem:$0x3F9F] =	sst s1;
	(tag) =	ssettag s2;
	_ =	strace s9  }
0x27: {  	s1 =	sld [smem:$0x3FAF]  }
0x28: {  	s2 =	sld [smem:$0x3FB0]  }
0x29: {  	s4 =	sld [smem:$0x3FB2]  }
0x2a: {  	p0 =	seq.s32 s5, $0x0;
	s5 =	sld [smem:$0x3FB3]  }
0x2b: {  	s6 =	sld [smem:$0x3FB4]  }
0x2c: {  	s7 =	sld [smem:$0x3FB5]  }
0x2d: {  	s3 =	simm.s32 $0x108;
	s8 =	sld [smem:$0x3FB6]  }
0x2e: {  	s3 =	simm.s32 @!p0 $0x1082;
	s9 =	sld [smem:$0x3FB7]  }
0x2f: {  	lr =	sadd.s32 s0, s3;
	s0 =	sld [smem:$0x3FAE]  }
0x30: {  	s3 =	sld [smem:$0x3FB1]  }
0x31: {  	[smem:$0x3FBA] =	sst s10  }
0x32: {  	s10 =	sld [smem:$0x3FB8];
	_ =	sdelay $0x3  }
0x33: {  	p0 =	seq.s32 s10, $0x1;
	s10 =	sld [smem:$0x3FBA];
	_ =	sdelay $0x3  }
0x34: {  	[smem:$0x3FBA] =	sst s10  }
0x35: {  	s10 =	sld [smem:$0x3FB9];
	_ =	sdelay $0x3  }
0x36: {  	p1 =	seq.s32 s10, $0x1;
	s10 =	sld [smem:$0x3FBA];
	_ =	sdelay $0x3  }
0x37: {  	[smem:$0x3FBA] =	sst s10  }
0x38: {  	s10 =	sld [smem:$0x3FBB]  }
0x39: {  	_ = 	snop;
	(pc) =	sbr.ind lr, $3  }
0x3a: {  	_ = 	snop  }
0x3b: {  	_ = 	snop  }
0x3c: {  	p2 =	seq.s32 s10, $0x1;
	s10 =	sld [smem:$0x3FBA]  }
0x3d: {  	_ =	shalt  }
0x3e: {  	_ =	shalt  }
0x3f: {  	_ =	shalt  }
0x40: {  	_ =	shalt  }
0x41: {  	_ =	shalt  }
0x42: {  	_ =	shalt  }
0x43: {  	_ =	shalt  }
0x44: {  	_ =	shalt  }
0x45: {  	_ =	shalt  }
0x46: {  	_ =	shalt  }
0x47: {  	_ =	shalt  }
0x48: {  	_ =	shalt  }
0x49: {  	_ =	shalt  }
0x4a: {  	_ =	shalt  }
0x4b: {  	_ =	shalt  }
0x4c: {  	_ =	shalt  }
0x4d: {  	_ =	shalt  }
0x4e: {  	_ =	shalt  }
0x4f: {  	_ =	shalt  }
0x50: {  	_ =	shalt  }
0x51: {  	_ =	shalt  }
0x52: {  	_ =	shalt  }
0x53: {  	_ =	shalt  }
0x54: {  	_ =	shalt  }
0x55: {  	_ =	shalt  }
0x56: {  	_ =	shalt  }
0x57: {  	_ =	shalt  }
0x58: {  	_ =	shalt  }
0x59: {  	_ =	shalt  }
0x5a: {  	_ =	shalt  }
0x5b: {  	_ =	shalt  }
0x5c: {  	_ =	shalt  }
0x5d: {  	_ =	shalt  }
0x5e: {  	_ =	shalt  }
0x5f: {  	_ =	shalt  }
0x60: {  	_ =	shalt  }
0x61: {  	_ =	shalt  }
0x62: {  	_ =	shalt  }
0x63: {  	_ =	shalt  }
0x64: {  	_ =	shalt  }
0x65: {  	_ =	shalt  }
0x66: {  	_ =	shalt  }
0x67: {  	_ =	shalt  }
0x68: {  	_ =	shalt  }
0x69: {  	_ =	shalt  }
0x6a: {  	_ =	shalt  }
0x6b: {  	_ =	shalt  }
0x6c: {  	_ =	shalt  }
0x6d: {  	_ =	shalt  }
0x6e: {  	_ =	shalt  }
0x6f: {  	_ =	shalt  }
0x70: {  	_ =	shalt  }
0x71: {  	_ =	shalt  }
0x72: {  	_ =	shalt  }
0x73: {  	_ =	shalt  }
0x74: {  	_ =	shalt  }
0x75: {  	_ =	shalt  }
0x76: {  	_ =	shalt  }
0x77: {  	_ =	shalt  }
0x78: {  	_ =	shalt  }
0x79: {  	_ =	shalt  }
0x7a: {  	_ =	shalt  }
0x7b: {  	_ =	shalt  }
0x7c: {  	_ =	shalt  }
0x7d: {  	_ =	shalt  }
0x7e: {  	_ =	shalt  }
0x7f: {  	_ =	shalt  }
0x80: {  	_ =	shalt  }
0x81: {  	_ =	shalt  }
0x82: {  	_ =	shalt  }
0x83: {  	_ =	shalt  }
0x84: {  	_ =	shalt  }
0x85: {  	_ =	shalt  }
0x86: {  	_ =	shalt  }
0x87: {  	_ =	shalt  }
.Lfunc_end0:
.L_simem_size_0:
called_computation_lowered:
.L_overlay_start_0:
0x88: {  	s2 =	sld [smem:$0x3FD9]  }
0x89: {  	s3 =	sld [smem:$0x3FFE];
	_ =	sdelay $0x1  }
0x8a: {  	s1 =	srdreg.scid  }
0x8b: {  	s0 =	sand.u32 $0x1, s1  }
0x8c: {  	s18 =	sshll.u32 s0, $0xA;
	s2 =	sadd.s32 s3, s2  }
0x8d: {  	s2 =	sadd.s32 s2, s18  }
0x8e: {  	[smem:$0x3FC6] =	sst s2  }
0x8f: {  	_ = 	snop  }
0x90: {  	s2 =	sld [smem:$0x3FC9]  }
0x91: {  	s19 =	sld [smem:$0x3FC8]  }
0x92: {  	s4 =	sld [smem:$0x3FD0];
	(tm) =	ssettm $0x1  }
0x93: {  	s5 =	sld [smem:$0x3FFB];
	_ =	sdelay $0x3  }
0x94: {  	_ =	strace s5  }
0x95: {  	s5 =	sld [smem:$0x3FFC];
	_ =	sdelay $0x3  }
0x96: {  	_ =	strace s5  }
0x97: {  	s5 =	sld [smem:$0x3FFD];
	_ =	sdelay $0x3  }
0x98: {  	_ =	strace s5  }
0x99: {  	_ =	strace $0x8FFFFFFF  }
0x9a: {  	s20 =	sld [smem:$0x3FDB];
	_ =	sdelay $0x1  }
0x9b: {  	s6 =	simm.s32 $_scs_section_size  }
0x9c: {  	s7 =	simm.s32 $_size__tile_overlayer_lowered;
	s8 =	simm.s32 $_tile_overlayer_lowered  }
0x9d: {  	s23 =	simm.s32 $0x1BFF;
	s22 =	sshll.u32 s8, $0x1;
	s5 =	sadd.s32 s6, s20  }
0x9e: {  	s9 =	simm.s32 $0x0;
	s21 =	sshll.u32 s7, $0x1;
	s7 =	sadd.s32 s22, s5  }
0x9f: {  	[timem:s9], [sflag:s23] =	dma.local [hbm:s7], s21  }
0xa0: {  	_ =	swait.ge [sflag:s23], s21  }
0xa1: {  	s6 =	ssub.s32 $0x0, s21;
	[sflag:s23] =	ssyncset.done $0x0  }
0xa2: {  	[sflag:s23] =	ssyncadd.s32 s6;
	_ =	sdelay $0x1  }
0xa3: {  	s24 =	simm.s32 $0x1B8B  }
0xa4: {  	_ =	swait.ge [sflag:s24], $0x1  }
0xa5: {  	[sflag:s24] =	ssyncset.done $0x0  }
0xa6: {  	s25 =	simm.s32 $0x1B8E;
	[sflag:s24] =	ssyncadd.s32 $0xFFFFFFFF  }
0xa7: {  	s26 =	simm.s32 $execute0_lowered;
	[smem:$0x3FD2] =	sst s25  }
0xa8: {  	s6 =	sshll.u32 s26, $0x1;
	_ =	strace $0x80000046;
	[dreg:$0x1] =	wrdreg $0xFFFFFFFF  }
0xa9: {  	s28 =	simm.s32 $_size_execute0_lowered;
	s5 =	sadd.s32 s5, s6;
	[dreg:$0x0] =	wrdreg $0x0  }
0xaa: {  	s6 =	sshll.u32 s28, $0x1;
	[dreg:$0x2] =	wrdreg s5  }
0xab: {  	[dreg:$0x3] =	wrdreg s6  }
0xac: {  	[dreg:$0x4] =	wrdreg $0xC0  }
0xad: {  	_ =	task [dreg:s9], $0x5FFFF  }
0xae: {  	[dreg:$0x1] =	wrdreg $0xFFFFFFFF  }
0xaf: {  	[dreg:$0x0] =	wrdreg $0x60  }
0xb0: {  	[dreg:$0x2] =	wrdreg s2  }
0xb1: {  	[dreg:$0x3] =	wrdreg s19  }
0xb2: {  	[dreg:$0x4] =	wrdreg s4  }
0xb3: {  	[dreg:$0x5] =	wrdreg $0x9  }
0xb4: {  	_ =	task.clear_ibuf [dreg:s9], $0x6FFFF;
	_ =	strace $0x90000046  }
0xb5: {  	s29 =	simm.s32 $0x9;
	_ =	strace $0x80000048  }
0xb6: {  	_ =	swait.ge [sflag:s29], $0x1  }
0xb7: {  	[sflag:s29] =	ssyncadd.s32 $0xFFFFFFFF  }
0xb8: {  	_ =	strace $0x90000048  }
0xb9: {  	_ =	sfence  }
0xba: {  	s30 =	sld [smem:$0x0];
	_ =	sdelay $0x2  }
0xbb: {  	s31 =	sshll.u32 s1, $0xD;
	s1 =	sshrl.u32 s1, $0x2  }
0xbc: {  	s3 =	sand.u32 $0x4000, s31;
	s1 =	sadd.s32 s1, s30  }
0xbd: {  	s0 =	sor.u32 s3, s0;
	s1 =	sshll.u32 s1, $0x11  }
0xbe: {  	s0 =	sor.u32 s1, s0  }
0xbf: {  	s0 =	sadd.s32 $0x8F2B, s0  }
0xc0: {  	[sflag:s0] =	ssyncadd.remote.s32 $0x1  }
0xc1: {  	_ =	sfence.sel $0xFFFF  }
0xc2: {  	[dreg:$0x0] =	wrdreg $0xFFFFFFFF;
	(pc) =	sbr.abs _section_cstart, $3  }
0xc3: {  	[dreg:$0x1] =	wrdreg $0xFFFFFFFF  }
0xc4: {  	_ =	task.clear_ibuf [dreg:s9], $0x2FFFF;
	_ =	strace $0x9FFFFFFF  }
0xc5: {  	(tm) =	ssettm $0x7FFFFFFF  }
tec
execute0_lowered:
.L_overlay_start_1:
0x0: {  	(tag) =	ssettag $0x1  }
0x1: {  	s3 =	rddreg [dreg:$0x0]  }
0x2: {  	s5 =	rddreg [dreg:$0x1]  }
0x3: {  	s0 =	srdreg.scid;
	s6 =	rddreg [dreg:$0x2]  }
0x4: {  	s2 =	simm.s32 $0x0;
	s11 =	simm.s32 $0x400;
	s4 =	sand.u32 $0x1, s0  }
0x5: {  	s0 =	stileid.u32;
	[smem:$0x7FF] =	sst s2;
	s1 =	sshll.u32 s4, $0x4  }
0x6: {  	s9 =	sshll.u32 s0, $0x7;
	s4 =	ssub.s32 $0x2, s4;
	s7 =	sor.u32 s0, s1  }
0x7: {  	s1 =	rddreg [dreg:$0x3];
	s8 =	sshrl.u32 s7, $0x3;
	s7 =	smul.u32 $0x500, s7  }
0x8: {  	s9 =	sand.u32 $0x380, s9;
	s10 =	sshrl.u32 s4, $0x1;
	s8 =	smul.u32 $0x14000, s8  }
0x9: {  	_ =	strace $0x80000047;
	s31 =	ssub.s32 s4, s10;
	s10 =	simm.s32 $0x80  }
0xa: {  	s3 =	sadd.s32 s3, s7;
	s4 =	sadd.s32 s5, s7;
	s8 =	sor.u32 s9, s8  }
0xb: {  	s7 =	simm.s32 $0x1;
	s9 =	simm.s32 $0x5000;
	s8 =	sshrl.u32 s8, $0x3  }
0xc: {  	v0 =	vimm.f32 $0.0e+00;
	s5 =	sadd.s32 s6, s8;
	s6 =	smax.u32 s31, $0x1;
	s8 =	simm.s32 $0x2800  }
.LBB2_1:
0xd: {  	s12 =	simm.s32 $0x40;
	s13 =	simm.s32 $0x0  }
.LBB2_2:
0xe: {  	p0 =	sne.s32 s12, $0x9FC0;
	[tilespmem:s13+$0x5000] =	vst v0;
	s13 =	smov.u32 s12;
	s12 =	sadd.s32 $0x40, s12  }
.Ltmp0:
0xf: {  	(pc) =	sbr.rel @p0 .LBB2_2-.Ltmp0, $2  }
0x10: {  	_ =	sdelay $0x2  }
0x11: {  	s13 =	sshra.s32 s13, $0x2  }
0x12: {  	[tilespmem:s13+$0x5000] =	vst v0;
	s12 =	simm.s32 $0x0  }
0x13: {  	[tilespmem:s12], [sflag:$0x1] =	stream.linear.gather [hbm4b:s3+s12], $0x2800, $0x38;
	[tilespmem:$0x7800] =	vst v63  }
0x14: {  	_ =	swait.ge [sflag:s7], $0x2800  }
0x15: {  	[sflag:s7] =	ssyncset.done $0x0  }
0x16: {  	[sflag:s7] =	ssyncadd.s32 $0xFFFFD800  }
0x17: {  	[tilespmem:s8], [sflag:$0x1] =	stream.linear.gather [hbm4b:s4+s12], $0x2800, $0x38;
	[tilespmem:$0x7800] =	vst v63  }
0x18: {  	_ =	swait.ge [sflag:s7], $0x2800  }
0x19: {  	[sflag:s7] =	ssyncset.done $0x0  }
0x1a: {  	s13 =	simm.s32 $0x0;
	s12 =	simm.s32 $0x40;
	[sflag:s7] =	ssyncadd.s32 $0xFFFFD800  }
.LBB2_4:
0x1b: {  	p0 =	sne.s32 s12, $0x9FC0;
	v1 =	vld [tilespmem:s13+$0x0];
	_ =	sdelay $0x2  }
0x1c: {  	v2 =	vld [tilespmem:s13+$0x2800]  }
.Ltmp1:
0x1d: {  	(pc) =	sbr.rel @p0 .LBB2_4-.Ltmp1, $2  }
0x1e: {  	_ =	sdelay $0x2  }
0x1f: {  	s13 =	sshra.s32 s12, $0x2;
	s12 =	sadd.s32 $0x40, s12;
	[tilespmem:v1+s9+$0x0] =	vst.idx.add.f32.msk $0xffff, v2  }
0x20: {  	v1 =	vld [tilespmem:s13+$0x0];
	_ =	sdelay $0x2  }
0x21: {  	v2 =	vld [tilespmem:s13+$0x2800];
	_ =	sdelay $0x2  }
0x22: {  	s2 =	sadd.s32 $0x1, s2  }
0x23: {  	p0 =	sne.s32 s2, s6  }
.Ltmp2:
0x24: {  	[tilespmem:v1+s9+$0x0] =	vst.idx.add.f32.msk $0xffff, v2;
	(pc) =	sbr.rel @p0 .LBB2_1-.Ltmp2, $4  }
0x25: {  	[hbm4b:s5+s10] =	stream.strided.scatter [tilespmem:s9], [sflag:$0x1], $0x2800, s11, s10, $0x38;
	[tilespmem:$0x7800] =	vst v63  }
0x26: {  	_ =	swait.ge [sflag:s7], $0x2800  }
0x27: {  	[sflag:s7] =	ssyncset.done $0x0  }
0x28: {  	[sflag:s7] =	ssyncadd.s32 $0xFFFFD800  }
0x29: {  	_ =	sfence.sel $0x180000  }
0x2a: {  	[bflag:$0x0] =	sbarrier.arrive $0xFFFF  }
0x2b: {  	p0 =	sne.s32 s0, $0x0;
	_ =	strace $0x90000047  }
0x2c: {  	s0 =	sadd.s32 @!p0 $0x100000, s1;
	[bflag:$0x2] =	sbarrier.arrive $0xFFFF  }
0x2d: {  	[sflag:s0] =	ssyncadd.tile.s32 @!p0 $0x1;
	_ =	shalt  }
.Lfunc_end2:
_tile_overlayer_lowered:
.L_overlay_start_2:
0x2e: {  	(tag) =	ssettag $0x2  }
0x2f: {  	s0 =	rddreg [dreg:$0x0];
	s2 =	stileid.u32  }
0x30: {  	s1 =	rddreg [dreg:$0x1];
	p0 =	sne.s32 s2, $0x0  }
0x31: {  	s3 =	rddreg [dreg:$0x2];
	[bflag:$0x3] =	sbarrier.arrive $0xFFFF;
	s2 =	simm.s32 @!p0 $0x1C01  }
0x32: {  	[timem:s3], [sflag:s2] =	dma.local @!p0 [hbm:s0], s1  }
0x33: {  	s0 =	simm.s32 @!p0 $0x1  }
0x34: {  	_ =	swait.ge @!p0 [sflag:s0], s1  }
0x35: {  	s1 =	ssub.s32 @!p0 $0x0, s1;
	[sflag:s0] =	ssyncset.done @!p0 $0x0  }
0x36: {  	[sflag:s0] =	ssyncadd.s32 @!p0 s1  }
0x37: {  	[bflag:$0x3] =	sbarrier.arrive $0xFFFF  }
0x38: {  	_ =	shalt  }

</sc_bundles>
